<compile_context>
chip_gen: v7x
topology: tpu7x:2x2x1
jax: 0.10.2.dev20260603
libtpu: 0.0.44.dev20260713+nightly
codegen_flags: <defaults>
</compile_context>

<pallas_src>
import functools
import jax
import jax.numpy as jnp
from jax import lax
from jax.experimental import pallas as pl
from jax.experimental.pallas import tpu as pltpu, tpu_sc as plsc

N_GRAPHS = 512
BASE_DIM = 128
CHARGE_PAD = 128
TBL = CHARGE_PAD + N_GRAPHS
NB = 4000

NW = 32
PER_W = 3200
CH = 128
NPAD = NW * PER_W


def _tables_kernel(ga_ref, ct_ref, cW1_ref, cb1_ref, cW2_ref, cb2_ref,
                   pW1_ref, pb1_ref, T_ref):
    f32 = jnp.float32
    pW1_c = pW1_ref[BASE_DIM:BASE_DIM + 16]
    pW1_h = pW1_ref[BASE_DIM + 16:]
    T_ref[:CHARGE_PAD] = jnp.dot(ct_ref[...], pW1_c, preferred_element_type=f32) + pb1_ref[...]
    h = jnp.dot(ga_ref[...], cW1_ref[...], preferred_element_type=f32) + cb1_ref[...]
    h = h * jax.nn.sigmoid(h)
    h = jnp.dot(h, cW2_ref[...], preferred_element_type=f32) + cb2_ref[...]
    T_ref[CHARGE_PAD:] = jnp.dot(h, pW1_h, preferred_element_type=f32)


def _sc_gather(T_hbm, bt_hbm, out_hbm, idxa, idxb, rowsa, rowsb, sema, semb):
    wid = lax.axis_index("s") * 2 + lax.axis_index("c")
    base = wid * PER_W

    def load_start(k, idxc, rows, sem):
        off = base + k * CH
        pltpu.sync_copy(bt_hbm.at[pl.ds(off, CH)], idxc)
        return pltpu.async_copy(T_hbm.at[idxc], rows, sem)

    def store(k, rows):
        pltpu.sync_copy(rows, out_hbm.at[pl.ds(base + k * CH, CH)])

    load_start(0, idxa, rowsa, sema)

    def body(t, carry):
        load_start(2 * t + 1, idxb, rowsb, semb)
        pltpu.make_async_copy(T_hbm.at[idxa], rowsa, sema).wait()
        store(2 * t, rowsa)
        load_start(2 * t + 2, idxa, rowsa, sema)
        pltpu.make_async_copy(T_hbm.at[idxb], rowsb, semb).wait()
        store(2 * t + 1, rowsb)
        return carry

    lax.fori_loop(0, (PER_W // CH) // 2, body, 0)
    pltpu.make_async_copy(T_hbm.at[idxa], rowsa, sema).wait()
    store(PER_W // CH - 1, rowsa)


def _fused_kernel(sp_ref, ch_ref, b_ref, T_ref, pW1_ref, pW2_ref, pb2_ref, out_ref):
    f32 = jnp.float32
    dn = (((0,), (0,)), ((), ()))
    z = jnp.dot(sp_ref[...], pW1_ref[:BASE_DIM], preferred_element_type=f32)
    oh_c = (ch_ref[0] == jax.lax.broadcasted_iota(jnp.int32, (CHARGE_PAD, NB), 0)).astype(f32)
    z = z + jax.lax.dot_general(oh_c, T_ref[:CHARGE_PAD], dn, preferred_element_type=f32)
    z = z + b_ref[...]
    a = z * jax.nn.sigmoid(z)
    out_ref[...] = jnp.dot(a, pW2_ref[...], preferred_element_type=f32) + pb2_ref[...]


def kernel(species_emb, batch, charge, graph_attr, charge_table,
           cW1, cb1, cW2, cb2, pW1, pb1, pW2, pb2):
    n = species_emb.shape[0]
    grid = n // NB
    ch3d = charge.astype(jnp.int32).reshape(grid, 1, NB)
    bt_pad = jnp.zeros((NPAD,), jnp.int32).at[:n].set(batch.astype(jnp.int32) + CHARGE_PAD)
    ct_pad = jnp.zeros((CHARGE_PAD, charge_table.shape[1]), jnp.float32).at[:charge_table.shape[0]].set(charge_table)

    T = pl.pallas_call(
        _tables_kernel,
        out_shape=jax.ShapeDtypeStruct((TBL, BASE_DIM), jnp.float32),
    )(graph_attr, ct_pad, cW1, cb1.reshape(1, -1), cW2, cb2.reshape(1, -1),
      pW1, pb1.reshape(1, -1))

    mesh = plsc.VectorSubcoreMesh(core_axis_name="c", subcore_axis_name="s")
    B = pl.kernel(
        _sc_gather,
        out_type=jax.ShapeDtypeStruct((NPAD, BASE_DIM), jnp.float32),
        mesh=mesh,
        scratch_types=[
            pltpu.VMEM((CH,), jnp.int32),
            pltpu.VMEM((CH,), jnp.int32),
            pltpu.VMEM((CH, BASE_DIM), jnp.float32),
            pltpu.VMEM((CH, BASE_DIM), jnp.float32),
            pltpu.SemaphoreType.DMA,
            pltpu.SemaphoreType.DMA,
        ],
    )(T, bt_pad)

    full = lambda s: pl.BlockSpec(s, lambda i: (0, 0))
    out = pl.pallas_call(
        _fused_kernel,
        grid=(grid,),
        in_specs=[
            pl.BlockSpec((NB, BASE_DIM), lambda i: (i, 0)),
            pl.BlockSpec((1, 1, NB), lambda i: (i, 0, 0)),
            pl.BlockSpec((NB, BASE_DIM), lambda i: (i, 0)),
            full(T.shape),
            full(pW1.shape),
            full(pW2.shape),
            full((1, pb2.shape[0])),
        ],
        out_specs=pl.BlockSpec((NB, pW2.shape[1]), lambda i: (i, 0)),
        out_shape=jax.ShapeDtypeStruct((n, pW2.shape[1]), jnp.float32),
    )(species_emb, ch3d, B[:n], T, pW1, pW2, pb2.reshape(1, -1))
    return out

# --- scband reference (transcript-rebuilt; emitter-appended) ---
"""Pipeline reference for scband-generic-joint-embedding-54855322304828 (READ-ONLY COPY).

The authoritative reference and input builder live on the scoring server;
editing this copy changes nothing except your own understanding.
"""

import jax, jax.numpy as jnp
import numpy as np

N_NODES = 100000
N_GRAPHS = 512
BASE_DIM = 128
CHARGE_CLASSES = 100
CHARGE_EMB = 16
CONT_IN = 16
CONT_EMB = 32
OUT_DIM = 128
TOTAL_DIM = BASE_DIM + CHARGE_EMB + CONT_EMB


def setup_inputs(seed: int = 0) -> dict:
    key = jax.random.key(seed)
    ks = jax.random.split(key, 16)
    species_emb = jax.random.normal(ks[0], (N_NODES, BASE_DIM), dtype=jnp.float32)
    batch = jnp.sort(jax.random.randint(ks[1], (N_NODES,), 0, N_GRAPHS, dtype=jnp.int64))
    charge = jax.random.randint(ks[2], (N_NODES,), 0, CHARGE_CLASSES, dtype=jnp.int64)
    graph_attr = jax.random.normal(ks[3], (N_GRAPHS, CONT_IN), dtype=jnp.float32)
    # learned parameters
    charge_table = jax.random.normal(ks[4], (CHARGE_CLASSES, CHARGE_EMB), dtype=jnp.float32)
    cW1 = jax.random.normal(ks[5], (CONT_IN, CONT_EMB), dtype=jnp.float32) * (1.0 / np.sqrt(CONT_IN))
    cb1 = jnp.zeros((CONT_EMB,), dtype=jnp.float32)
    cW2 = jax.random.normal(ks[6], (CONT_EMB, CONT_EMB), dtype=jnp.float32) * (1.0 / np.sqrt(CONT_EMB))
    cb2 = jnp.zeros((CONT_EMB,), dtype=jnp.float32)
    pW1 = jax.random.normal(ks[7], (TOTAL_DIM, OUT_DIM), dtype=jnp.float32) * (1.0 / np.sqrt(TOTAL_DIM))
    pb1 = jnp.zeros((OUT_DIM,), dtype=jnp.float32)
    pW2 = jax.random.normal(ks[8], (OUT_DIM, OUT_DIM), dtype=jnp.float32) * (1.0 / np.sqrt(OUT_DIM))
    pb2 = jnp.zeros((OUT_DIM,), dtype=jnp.float32)
    return {
        "species_emb": species_emb,
        "batch": batch,
        "charge": charge,
        "graph_attr": graph_attr,
        "charge_table": charge_table,
        "cW1": cW1, "cb1": cb1, "cW2": cW2, "cb2": cb2,
        "pW1": pW1, "pb1": pb1, "pW2": pW2, "pb2": pb2,
    }


def reference(species_emb, batch, charge, graph_attr, charge_table,
              cW1, cb1, cW2, cb2, pW1, pb1, pW2, pb2):
    embs = [species_emb]
    # categorical feature 'charge', per='node': embedding lookup
    charge_emb = jnp.take(charge_table, charge, axis=0)
    embs.append(charge_emb)
    # continuous feature 'graph_attr', per='graph': upsample via batch then MLP
    feat = jnp.take(graph_attr, batch, axis=0)
    h = jax.nn.silu(feat @ cW1 + cb1) @ cW2 + cb2
    embs.append(h)
    x = jnp.concatenate(embs, axis=-1)
    out = jax.nn.silu(x @ pW1 + pb1) @ pW2 + pb2
    return out

if __name__ == "__main__":
    import jax
    _d = setup_inputs()
    print(jax.jit(kernel)(*tuple(_d.values())))

</pallas_src>

<mosaic_0001>
#map = affine_map<(d0, d1) -> (0, 0)>
#map1 = affine_map<(d0, d1) -> (0)>
module attributes {stable_mosaic.version = 14 : i64} {
  func.func @_sc_gather(%arg0: i32, %arg1: i32, %arg2: memref<640x128xf32, #tpu.memory_space<hbm>>, %arg3: memref<102400xi32, #tpu.memory_space<hbm>>, %arg4: memref<102400x128xf32, #tpu.memory_space<hbm>>, %arg5: memref<128xi32, #tpu.memory_space<vmem>>, %arg6: memref<128xi32, #tpu.memory_space<vmem>>, %arg7: memref<128x128xf32, #tpu.memory_space<vmem>>, %arg8: memref<128x128xf32, #tpu.memory_space<vmem>>, %arg9: memref<!tpu.dma_semaphore, #tpu.memory_space<semaphore_mem>>, %arg10: memref<!tpu.dma_semaphore, #tpu.memory_space<semaphore_mem>>) attributes {dimension_semantics = [#tpu.dimension_semantics<core_parallel>, #tpu.dimension_semantics<subcore_parallel>], iteration_bounds = array<i64: 2, 16>, scalar_prefetch = 0 : i64, scratch_operands = 6 : i64, tpu.core_type = #tpu.core_type<sc_vector_subcore>, window_params = [{transform_indices = #map}, {transform_indices = #map1}, {transform_indices = #map}]} {
    %mul3A = arith.constant 2 : i32
    %mul3A_0 = arith.muli %arg1, %mul3A : i32
    %add3A = arith.addi %mul3A_0, %arg0 : i32
    %mul3A_1 = arith.constant 3200 : i32
    %mul3A_2 = arith.muli %add3A, %mul3A_1 : i32
    %add3A_3 = arith.constant 0 : i32
    %add3A_4 = arith.addi %mul3A_2, %add3A_3 : i32
    "tpu.region"() ({
      %run_scoped3A = tpu.sem_alloc : memref<!tpu.dma_semaphore, #tpu.memory_space<semaphore_mem>>
      %dma_start3A_16 = tpu.memref_slice %arg3[%add3A_4] : memref<102400xi32, #tpu.memory_space<hbm>> -> memref<128xi32, #tpu.memory_space<hbm>>
      %dma_start3A_17 = tpu.memref_slice %arg3[%add3A_4] : memref<102400xi32, #tpu.memory_space<hbm>> -> memref<128xi32, #tpu.memory_space<hbm>>
      tpu.enqueue_dma source(%dma_start3A_17 : memref<128xi32, #tpu.memory_space<hbm>>) target(%arg5 : memref<128xi32, #tpu.memory_space<vmem>>) target_semaphore(%run_scoped3A : memref<!tpu.dma_semaphore, #tpu.memory_space<semaphore_mem>>)
      %dma_wait3A_18 = tpu.memref_slice %arg3[%add3A_4] : memref<102400xi32, #tpu.memory_space<hbm>> -> memref<128xi32, #tpu.memory_space<hbm>>
      %dma_wait3A_19 = tpu.memref_slice %arg3[%add3A_4] : memref<102400xi32, #tpu.memory_space<hbm>> -> memref<128xi32, #tpu.memory_space<hbm>>
      tpu.wait_dma2 semaphore(%run_scoped3A : memref<!tpu.dma_semaphore, #tpu.memory_space<semaphore_mem>>) src(%dma_wait3A_19 : memref<128xi32, #tpu.memory_space<hbm>>) dst(%arg5 : memref<128xi32, #tpu.memory_space<vmem>>)
      tpu.yield
    }) : () -> ()
    %dma_start3A = arith.constant 0 : i32
    %dma_start3A_5 = arith.constant 0 : i32
    %dma_start3A_6 = tpu.memref_slice %arg2[%dma_start3A, %dma_start3A_5] : memref<640x128xf32, #tpu.memory_space<hbm>> -> memref<640x128xf32, #tpu.memory_space<hbm>>
    tpu.enqueue_indirect_dma source(%dma_start3A_6 : memref<640x128xf32, #tpu.memory_space<hbm>>) target(%arg7 : memref<128x128xf32, #tpu.memory_space<vmem>>) offsets(%arg5 : memref<128xi32, #tpu.memory_space<vmem>>) semaphore(%arg9 : memref<!tpu.dma_semaphore, #tpu.memory_space<semaphore_mem>>)
    %scan3A = arith.constant 0 : i32
    %scan3A_7 = arith.constant 0 : i32
    %scan3A_8 = arith.constant 12 : i32
    %scan3A_9 = arith.addi %scan3A_7, %scan3A_8 : i32
    %scan3A_10 = arith.constant 1 : i32
    scf.for %scan3A_16 = %scan3A_7 to %scan3A_9 step %scan3A_10  : i32 {
      %mul3A_17 = arith.constant 2 : i32
      %mul3A_18 = arith.muli %mul3A_17, %scan3A_16 : i32
      %add3A_19 = arith.constant 1 : i32
      %add3A_20 = arith.addi %mul3A_18, %add3A_19 : i32
      %mul3A_21 = arith.constant 128 : i32
      %mul3A_22 = arith.muli %add3A_20, %mul3A_21 : i32
      %add3A_23 = arith.addi %mul3A_2, %mul3A_22 : i32
      "tpu.region"() ({
        %run_scoped3A = tpu.sem_alloc : memref<!tpu.dma_semaphore, #tpu.memory_space<semaphore_mem>>
        %dma_start3A_55 = tpu.memref_slice %arg3[%add3A_23] : memref<102400xi32, #tpu.memory_space<hbm>> -> memref<128xi32, #tpu.memory_space<hbm>>
        %dma_start3A_56 = tpu.memref_slice %arg3[%add3A_23] : memref<102400xi32, #tpu.memory_space<hbm>> -> memref<128xi32, #tpu.memory_space<hbm>>
        tpu.enqueue_dma source(%dma_start3A_56 : memref<128xi32, #tpu.memory_space<hbm>>) target(%arg6 : memref<128xi32, #tpu.memory_space<vmem>>) target_semaphore(%run_scoped3A : memref<!tpu.dma_semaphore, #tpu.memory_space<semaphore_mem>>)
        %dma_wait3A_57 = tpu.memref_slice %arg3[%add3A_23] : memref<102400xi32, #tpu.memory_space<hbm>> -> memref<128xi32, #tpu.memory_space<hbm>>
        %dma_wait3A_58 = tpu.memref_slice %arg3[%add3A_23] : memref<102400xi32, #tpu.memory_space<hbm>> -> memref<128xi32, #tpu.memory_space<hbm>>
        tpu.wait_dma2 semaphore(%run_scoped3A : memref<!tpu.dma_semaphore, #tpu.memory_space<semaphore_mem>>) src(%dma_wait3A_58 : memref<128xi32, #tpu.memory_space<hbm>>) dst(%arg6 : memref<128xi32, #tpu.memory_space<vmem>>)
        tpu.yield
      }) : () -> ()
      %dma_start3A_24 = arith.constant 0 : i32
      %dma_start3A_25 = arith.constant 0 : i32
      %dma_start3A_26 = tpu.memref_slice %arg2[%dma_start3A_24, %dma_start3A_25] : memref<640x128xf32, #tpu.memory_space<hbm>> -> memref<640x128xf32, #tpu.memory_space<hbm>>
      tpu.enqueue_indirect_dma source(%dma_start3A_26 : memref<640x128xf32, #tpu.memory_space<hbm>>) target(%arg8 : memref<128x128xf32, #tpu.memory_space<vmem>>) offsets(%arg6 : memref<128xi32, #tpu.memory_space<vmem>>) semaphore(%arg10 : memref<!tpu.dma_semaphore, #tpu.memory_space<semaphore_mem>>)
      %dma_wait3A_27 = arith.constant 0 : i32
      %dma_wait3A_28 = arith.constant 0 : i32
      %dma_wait3A_29 = tpu.memref_slice %arg2[%dma_wait3A_27, %dma_wait3A_28] : memref<640x128xf32, #tpu.memory_space<hbm>> -> memref<640x128xf32, #tpu.memory_space<hbm>>
      tpu.wait_indirect_dma semaphore(%arg9 : memref<!tpu.dma_semaphore, #tpu.memory_space<semaphore_mem>>) src(%dma_wait3A_29 : memref<640x128xf32, #tpu.memory_space<hbm>>) dst(%arg7 : memref<128x128xf32, #tpu.memory_space<vmem>>)
      %mul3A_30 = arith.constant 2 : i32
      %mul3A_31 = arith.muli %mul3A_30, %scan3A_16 : i32
      %mul3A_32 = arith.constant 128 : i32
      %mul3A_33 = arith.muli %mul3A_31, %mul3A_32 : i32
      %add3A_34 = arith.addi %mul3A_2, %mul3A_33 : i32
      "tpu.region"() ({
        %run_scoped3A = tpu.sem_alloc : memref<!tpu.dma_semaphore, #tpu.memory_space<semaphore_mem>>
        %dma_start3A_55 = arith.constant 0 : i32
        %dma_start3A_56 = tpu.memref_slice %arg4[%add3A_34, %dma_start3A_55] : memref<102400x128xf32, #tpu.memory_space<hbm>> -> memref<128x128xf32, #tpu.memory_space<hbm>>
        %dma_start3A_57 = arith.constant 0 : i32
        %dma_start3A_58 = tpu.memref_slice %arg4[%add3A_34, %dma_start3A_57] : memref<102400x128xf32, #tpu.memory_space<hbm>> -> memref<128x128xf32, #tpu.memory_space<hbm>>
        tpu.enqueue_dma source(%arg7 : memref<128x128xf32, #tpu.memory_space<vmem>>) target(%dma_start3A_58 : memref<128x128xf32, #tpu.memory_space<hbm>>) target_semaphore(%run_scoped3A : memref<!tpu.dma_semaphore, #tpu.memory_space<semaphore_mem>>)
        %dma_wait3A_59 = arith.constant 0 : i32
        %dma_wait3A_60 = tpu.memref_slice %arg4[%add3A_34, %dma_wait3A_59] : memref<102400x128xf32, #tpu.memory_space<hbm>> -> memref<128x128xf32, #tpu.memory_space<hbm>>
        %dma_wait3A_61 = arith.constant 0 : i32
        %dma_wait3A_62 = tpu.memref_slice %arg4[%add3A_34, %dma_wait3A_61] : memref<102400x128xf32, #tpu.memory_space<hbm>> -> memref<128x128xf32, #tpu.memory_space<hbm>>
        tpu.wait_dma2 semaphore(%run_scoped3A : memref<!tpu.dma_semaphore, #tpu.memory_space<semaphore_mem>>) src(%arg7 : memref<128x128xf32, #tpu.memory_space<vmem>>) dst(%dma_wait3A_62 : memref<128x128xf32, #tpu.memory_space<hbm>>)
        tpu.yield
      }) : () -> ()
      %mul3A_35 = arith.constant 2 : i32
      %mul3A_36 = arith.muli %mul3A_35, %scan3A_16 : i32
      %add3A_37 = arith.constant 2 : i32
      %add3A_38 = arith.addi %mul3A_36, %add3A_37 : i32
      %mul3A_39 = arith.constant 128 : i32
      %mul3A_40 = arith.muli %add3A_38, %mul3A_39 : i32
      %add3A_41 = arith.addi %mul3A_2, %mul3A_40 : i32
      "tpu.region"() ({
        %run_scoped3A = tpu.sem_alloc : memref<!tpu.dma_semaphore, #tpu.memory_space<semaphore_mem>>
        %dma_start3A_55 = tpu.memref_slice %arg3[%add3A_41] : memref<102400xi32, #tpu.memory_space<hbm>> -> memref<128xi32, #tpu.memory_space<hbm>>
        %dma_start3A_56 = tpu.memref_slice %arg3[%add3A_41] : memref<102400xi32, #tpu.memory_space<hbm>> -> memref<128xi32, #tpu.memory_space<hbm>>
        tpu.enqueue_dma source(%dma_start3A_56 : memref<128xi32, #tpu.memory_space<hbm>>) target(%arg5 : memref<128xi32, #tpu.memory_space<vmem>>) target_semaphore(%run_scoped3A : memref<!tpu.dma_semaphore, #tpu.memory_space<semaphore_mem>>)
        %dma_wait3A_57 = tpu.memref_slice %arg3[%add3A_41] : memref<102400xi32, #tpu.memory_space<hbm>> -> memref<128xi32, #tpu.memory_space<hbm>>
        %dma_wait3A_58 = tpu.memref_slice %arg3[%add3A_41] : memref<102400xi32, #tpu.memory_space<hbm>> -> memref<128xi32, #tpu.memory_space<hbm>>
        tpu.wait_dma2 semaphore(%run_scoped3A : memref<!tpu.dma_semaphore, #tpu.memory_space<semaphore_mem>>) src(%dma_wait3A_58 : memref<128xi32, #tpu.memory_space<hbm>>) dst(%arg5 : memref<128xi32, #tpu.memory_space<vmem>>)
        tpu.yield
      }) : () -> ()
      %dma_start3A_42 = arith.constant 0 : i32
      %dma_start3A_43 = arith.constant 0 : i32
      %dma_start3A_44 = tpu.memref_slice %arg2[%dma_start3A_42, %dma_start3A_43] : memref<640x128xf32, #tpu.memory_space<hbm>> -> memref<640x128xf32, #tpu.memory_space<hbm>>
      tpu.enqueue_indirect_dma source(%dma_start3A_44 : memref<640x128xf32, #tpu.memory_space<hbm>>) target(%arg7 : memref<128x128xf32, #tpu.memory_space<vmem>>) offsets(%arg5 : memref<128xi32, #tpu.memory_space<vmem>>) semaphore(%arg9 : memref<!tpu.dma_semaphore, #tpu.memory_space<semaphore_mem>>)
      %dma_wait3A_45 = arith.constant 0 : i32
      %dma_wait3A_46 = arith.constant 0 : i32
      %dma_wait3A_47 = tpu.memref_slice %arg2[%dma_wait3A_45, %dma_wait3A_46] : memref<640x128xf32, #tpu.memory_space<hbm>> -> memref<640x128xf32, #tpu.memory_space<hbm>>
      tpu.wait_indirect_dma semaphore(%arg10 : memref<!tpu.dma_semaphore, #tpu.memory_space<semaphore_mem>>) src(%dma_wait3A_47 : memref<640x128xf32, #tpu.memory_space<hbm>>) dst(%arg8 : memref<128x128xf32, #tpu.memory_space<vmem>>)
      %mul3A_48 = arith.constant 2 : i32
      %mul3A_49 = arith.muli %mul3A_48, %scan3A_16 : i32
      %add3A_50 = arith.constant 1 : i32
      %add3A_51 = arith.addi %mul3A_49, %add3A_50 : i32
      %mul3A_52 = arith.constant 128 : i32
      %mul3A_53 = arith.muli %add3A_51, %mul3A_52 : i32
      %add3A_54 = arith.addi %mul3A_2, %mul3A_53 : i32
      "tpu.region"() ({
        %run_scoped3A = tpu.sem_alloc : memref<!tpu.dma_semaphore, #tpu.memory_space<semaphore_mem>>
        %dma_start3A_55 = arith.constant 0 : i32
        %dma_start3A_56 = tpu.memref_slice %arg4[%add3A_54, %dma_start3A_55] : memref<102400x128xf32, #tpu.memory_space<hbm>> -> memref<128x128xf32, #tpu.memory_space<hbm>>
        %dma_start3A_57 = arith.constant 0 : i32
        %dma_start3A_58 = tpu.memref_slice %arg4[%add3A_54, %dma_start3A_57] : memref<102400x128xf32, #tpu.memory_space<hbm>> -> memref<128x128xf32, #tpu.memory_space<hbm>>
        tpu.enqueue_dma source(%arg8 : memref<128x128xf32, #tpu.memory_space<vmem>>) target(%dma_start3A_58 : memref<128x128xf32, #tpu.memory_space<hbm>>) target_semaphore(%run_scoped3A : memref<!tpu.dma_semaphore, #tpu.memory_space<semaphore_mem>>)
        %dma_wait3A_59 = arith.constant 0 : i32
        %dma_wait3A_60 = tpu.memref_slice %arg4[%add3A_54, %dma_wait3A_59] : memref<102400x128xf32, #tpu.memory_space<hbm>> -> memref<128x128xf32, #tpu.memory_space<hbm>>
        %dma_wait3A_61 = arith.constant 0 : i32
        %dma_wait3A_62 = tpu.memref_slice %arg4[%add3A_54, %dma_wait3A_61] : memref<102400x128xf32, #tpu.memory_space<hbm>> -> memref<128x128xf32, #tpu.memory_space<hbm>>
        tpu.wait_dma2 semaphore(%run_scoped3A : memref<!tpu.dma_semaphore, #tpu.memory_space<semaphore_mem>>) src(%arg8 : memref<128x128xf32, #tpu.memory_space<vmem>>) dst(%dma_wait3A_62 : memref<128x128xf32, #tpu.memory_space<hbm>>)
        tpu.yield
      }) : () -> ()
    }
    %scan3A_11 = arith.constant 12 : i32
    %dma_wait3A = arith.constant 0 : i32
    %dma_wait3A_12 = arith.constant 0 : i32
    %dma_wait3A_13 = tpu.memref_slice %arg2[%dma_wait3A, %dma_wait3A_12] : memref<640x128xf32, #tpu.memory_space<hbm>> -> memref<640x128xf32, #tpu.memory_space<hbm>>
    tpu.wait_indirect_dma semaphore(%arg9 : memref<!tpu.dma_semaphore, #tpu.memory_space<semaphore_mem>>) src(%dma_wait3A_13 : memref<640x128xf32, #tpu.memory_space<hbm>>) dst(%arg7 : memref<128x128xf32, #tpu.memory_space<vmem>>)
    %add3A_14 = arith.constant 3072 : i32
    %add3A_15 = arith.addi %mul3A_2, %add3A_14 : i32
    "tpu.region"() ({
      %run_scoped3A = tpu.sem_alloc : memref<!tpu.dma_semaphore, #tpu.memory_space<semaphore_mem>>
      %dma_start3A_16 = arith.constant 0 : i32
      %dma_start3A_17 = tpu.memref_slice %arg4[%add3A_15, %dma_start3A_16] : memref<102400x128xf32, #tpu.memory_space<hbm>> -> memref<128x128xf32, #tpu.memory_space<hbm>>
      %dma_start3A_18 = arith.constant 0 : i32
      %dma_start3A_19 = tpu.memref_slice %arg4[%add3A_15, %dma_start3A_18] : memref<102400x128xf32, #tpu.memory_space<hbm>> -> memref<128x128xf32, #tpu.memory_space<hbm>>
      tpu.enqueue_dma source(%arg7 : memref<128x128xf32, #tpu.memory_space<vmem>>) target(%dma_start3A_19 : memref<128x128xf32, #tpu.memory_space<hbm>>) target_semaphore(%run_scoped3A : memref<!tpu.dma_semaphore, #tpu.memory_space<semaphore_mem>>)
      %dma_wait3A_20 = arith.constant 0 : i32
      %dma_wait3A_21 = tpu.memref_slice %arg4[%add3A_15, %dma_wait3A_20] : memref<102400x128xf32, #tpu.memory_space<hbm>> -> memref<128x128xf32, #tpu.memory_space<hbm>>
      %dma_wait3A_22 = arith.constant 0 : i32
      %dma_wait3A_23 = tpu.memref_slice %arg4[%add3A_15, %dma_wait3A_22] : memref<102400x128xf32, #tpu.memory_space<hbm>> -> memref<128x128xf32, #tpu.memory_space<hbm>>
      tpu.wait_dma2 semaphore(%run_scoped3A : memref<!tpu.dma_semaphore, #tpu.memory_space<semaphore_mem>>) src(%arg7 : memref<128x128xf32, #tpu.memory_space<vmem>>) dst(%dma_wait3A_23 : memref<128x128xf32, #tpu.memory_space<hbm>>)
      tpu.yield
    }) : () -> ()
    return
  }
}

module attributes {stable_mosaic.version = 14 : i64} {
  func.func @_tables_kernel(%arg0: memref<512x16xf32, #tpu.memory_space<vmem>>, %arg1: memref<128x16xf32, #tpu.memory_space<vmem>>, %arg2: memref<16x32xf32, #tpu.memory_space<vmem>>, %arg3: memref<1x32xf32, #tpu.memory_space<vmem>>, %arg4: memref<32x32xf32, #tpu.memory_space<vmem>>, %arg5: memref<1x32xf32, #tpu.memory_space<vmem>>, %arg6: memref<176x128xf32, #tpu.memory_space<vmem>>, %arg7: memref<1x128xf32, #tpu.memory_space<vmem>>, %arg8: memref<640x128xf32, #tpu.memory_space<vmem>>) attributes {dimension_semantics = [], scalar_prefetch = 0 : i64, scratch_operands = 0 : i64, tpu.core_type = #tpu.core_type<tc>} {
    %get3A = arith.constant 128 : index
    %get3A_0 = arith.constant 0 : index
    %get3A_1 = vector.load %arg6[%get3A, %get3A_0] : memref<176x128xf32, #tpu.memory_space<vmem>>, vector<16x128xf32>
    %get3A_2 = arith.constant 144 : index
    %get3A_3 = arith.constant 0 : index
    %get3A_4 = vector.load %arg6[%get3A_2, %get3A_3] : memref<176x128xf32, #tpu.memory_space<vmem>>, vector<32x128xf32>
    %get3A_5 = arith.constant 0 : index
    %get3A_6 = arith.constant 0 : index
    %get3A_7 = vector.load %arg1[%get3A_5, %get3A_6] : memref<128x16xf32, #tpu.memory_space<vmem>>, vector<128x16xf32>
    %dot_general3A = arith.constant dense<0.000000e+00> : vector<128x128xf32>
    %dot_general3A_8 = tpu.matmul %get3A_7, %get3A_1, %dot_general3A {dimension_numbers = #tpu.dot_dimension_numbers<[1], [0], [0], [1], [0, 0, 1, 1], [], []>, transpose_lhs_hint = false} : vector<128x16xf32>, vector<16x128xf32>, vector<128x128xf32> -> vector<128x128xf32>
    %get3A_9 = arith.constant 0 : index
    %get3A_10 = arith.constant 0 : index
    %get3A_11 = vector.load %arg7[%get3A_9, %get3A_10] : memref<1x128xf32, #tpu.memory_space<vmem>>, vector<1x128xf32>
    %add3A = vector.broadcast %get3A_11 : vector<1x128xf32> to vector<128x128xf32>
    %add3A_12 = arith.addf %dot_general3A_8, %add3A : vector<128x128xf32>
    %swap3A = arith.constant 0 : index
    %swap3A_13 = arith.constant 0 : index
    %swap3A_14 = vector.load %arg8[%swap3A, %swap3A_13] : memref<640x128xf32, #tpu.memory_space<vmem>>, vector<128x128xf32>
    tpu.vector_store %arg8[%swap3A, %swap3A_13], %add3A_12 {strides = array<i32>} : memref<640x128xf32, #tpu.memory_space<vmem>>, vector<128x128xf32>,
    %get3A_15 = arith.constant 0 : index
    %get3A_16 = arith.constant 0 : index
    %get3A_17 = vector.load %arg0[%get3A_15, %get3A_16] : memref<512x16xf32, #tpu.memory_space<vmem>>, vector<512x16xf32>
    %get3A_18 = arith.constant 0 : index
    %get3A_19 = arith.constant 0 : index
    %get3A_20 = vector.load %arg2[%get3A_18, %get3A_19] : memref<16x32xf32, #tpu.memory_space<vmem>>, vector<16x32xf32>
    %dot_general3A_21 = arith.constant dense<0.000000e+00> : vector<512x32xf32>
    %dot_general3A_22 = tpu.matmul %get3A_17, %get3A_20, %dot_general3A_21 {dimension_numbers = #tpu.dot_dimension_numbers<[1], [0], [0], [1], [0, 0, 1, 1], [], []>, transpose_lhs_hint = false} : vector<512x16xf32>, vector<16x32xf32>, vector<512x32xf32> -> vector<512x32xf32>
    %get3A_23 = arith.constant 0 : index
    %get3A_24 = arith.constant 0 : index
    %get3A_25 = vector.load %arg3[%get3A_23, %get3A_24] : memref<1x32xf32, #tpu.memory_space<vmem>>, vector<1x32xf32>
    %add3A_26 = vector.broadcast %get3A_25 : vector<1x32xf32> to vector<512x32xf32>
    %add3A_27 = arith.addf %dot_general3A_22, %add3A_26 : vector<512x32xf32>
    %logistic3A = arith.negf %add3A_27 : vector<512x32xf32>
    %logistic3A_28 = math.exp %logistic3A : vector<512x32xf32>
    %logistic3A_29 = arith.constant 1.000000e+00 : f32
    %logistic3A_30 = vector.broadcast %logistic3A_29 : f32 to vector<512x32xf32>
    %logistic3A_31 = arith.addf %logistic3A_30, %logistic3A_28 : vector<512x32xf32>
    %logistic3A_32 = arith.divf %logistic3A_30, %logistic3A_31 : vector<512x32xf32>
    %mul3A = arith.mulf %add3A_27, %logistic3A_32 : vector<512x32xf32>
    %get3A_33 = arith.constant 0 : index
    %get3A_34 = arith.constant 0 : index
    %get3A_35 = vector.load %arg4[%get3A_33, %get3A_34] : memref<32x32xf32, #tpu.memory_space<vmem>>, vector<32x32xf32>
    %dot_general3A_36 = arith.constant dense<0.000000e+00> : vector<512x32xf32>
    %dot_general3A_37 = tpu.matmul %mul3A, %get3A_35, %dot_general3A_36 {dimension_numbers = #tpu.dot_dimension_numbers<[1], [0], [0], [1], [0, 0, 1, 1], [], []>, transpose_lhs_hint = false} : vector<512x32xf32>, vector<32x32xf32>, vector<512x32xf32> -> vector<512x32xf32>
    %get3A_38 = arith.constant 0 : index
    %get3A_39 = arith.constant 0 : index
    %get3A_40 = vector.load %arg5[%get3A_38, %get3A_39] : memref<1x32xf32, #tpu.memory_space<vmem>>, vector<1x32xf32>
    %add3A_41 = vector.broadcast %get3A_40 : vector<1x32xf32> to vector<512x32xf32>
    %add3A_42 = arith.addf %dot_general3A_37, %add3A_41 : vector<512x32xf32>
    %dot_general3A_43 = arith.constant dense<0.000000e+00> : vector<512x128xf32>
    %dot_general3A_44 = tpu.matmul %add3A_42, %get3A_4, %dot_general3A_43 {dimension_numbers = #tpu.dot_dimension_numbers<[1], [0], [0], [1], [0, 0, 1, 1], [], []>, transpose_lhs_hint = false} : vector<512x32xf32>, vector<32x128xf32>, vector<512x128xf32> -> vector<512x128xf32>
    %swap3A_45 = arith.constant 128 : index
    %swap3A_46 = arith.constant 0 : index
    %swap3A_47 = vector.load %arg8[%swap3A_45, %swap3A_46] : memref<640x128xf32, #tpu.memory_space<vmem>>, vector<512x128xf32>
    tpu.vector_store %arg8[%swap3A_45, %swap3A_46], %dot_general3A_44 {strides = array<i32>} : memref<640x128xf32, #tpu.memory_space<vmem>>, vector<512x128xf32>,
    return
  }
}

module attributes {stable_mosaic.version = 14 : i64} {
  func.func @_fused_kernel(%arg0: i32, %arg1: memref<4000x128xf32, #tpu.memory_space<vmem>>, %arg2: memref<1x1x4000xi32, #tpu.memory_space<vmem>>, %arg3: memref<4000x128xf32, #tpu.memory_space<vmem>>, %arg4: memref<640x128xf32, #tpu.memory_space<vmem>>, %arg5: memref<176x128xf32, #tpu.memory_space<vmem>>, %arg6: memref<128x128xf32, #tpu.memory_space<vmem>>, %arg7: memref<1x128xf32, #tpu.memory_space<vmem>>, %arg8: memref<4000x128xf32, #tpu.memory_space<vmem>>) attributes {dimension_semantics = [#tpu.dimension_semantics<arbitrary>], iteration_bounds = array<i64: 25>, scalar_prefetch = 0 : i64, scratch_operands = 0 : i64, tpu.core_type = #tpu.core_type<tc>, window_params = [{transform_indices = @transform_0, window_bounds = array<i64: 4000, 128>}, {transform_indices = @transform_1, window_bounds = array<i64: 1, 1, 4000>}, {transform_indices = @transform_2, window_bounds = array<i64: 4000, 128>}, {pipeline_mode = #tpu.pipeline_mode<synchronous>, transform_indices = @transform_3, window_bounds = array<i64: 640, 128>}, {pipeline_mode = #tpu.pipeline_mode<synchronous>, transform_indices = @transform_4, window_bounds = array<i64: 176, 128>}, {pipeline_mode = #tpu.pipeline_mode<synchronous>, transform_indices = @transform_5, window_bounds = array<i64: 128, 128>}, {pipeline_mode = #tpu.pipeline_mode<synchronous>, transform_indices = @transform_6, window_bounds = array<i64: 1, 128>}, {transform_indices = @transform_7, window_bounds = array<i64: 4000, 128>}]} {
    %get3A = arith.constant 0 : index
    %get3A_0 = arith.constant 0 : index
    %get3A_1 = vector.load %arg1[%get3A, %get3A_0] : memref<4000x128xf32, #tpu.memory_space<vmem>>, vector<4000x128xf32>
    %get3A_2 = arith.constant 0 : index
    %get3A_3 = arith.constant 0 : index
    %get3A_4 = vector.load %arg5[%get3A_2, %get3A_3] : memref<176x128xf32, #tpu.memory_space<vmem>>, vector<128x128xf32>
    %dot_general3A = arith.constant dense<0.000000e+00> : vector<4000x128xf32>
    %dot_general3A_5 = tpu.matmul %get3A_1, %get3A_4, %dot_general3A {dimension_numbers = #tpu.dot_dimension_numbers<[1], [0], [0], [1], [0, 0, 1, 1], [], []>, transpose_lhs_hint = false} : vector<4000x128xf32>, vector<128x128xf32>, vector<4000x128xf32> -> vector<4000x128xf32>
    %get3A_6 = arith.constant 0 : index
    %get3A_7 = arith.constant 0 : index
    %get3A_8 = arith.constant 0 : index
    %get3A_9 = vector.load %arg2[%get3A_6, %get3A_7, %get3A_8] : memref<1x1x4000xi32, #tpu.memory_space<vmem>>, vector<1x1x4000xi32>
    %get3A_10 = vector.shape_cast %get3A_9 : vector<1x1x4000xi32> to vector<1x4000xi32>
    %iota3A = tpu.iota {dimensions = array<i32: 0>} : vector<128x4000xi32>
    %eq3A = vector.broadcast %get3A_10 : vector<1x4000xi32> to vector<128x4000xi32>
    %eq3A_11 = arith.cmpi eq, %eq3A, %iota3A : vector<128x4000xi32>
    %convert_element_type3A = arith.extui %eq3A_11 : vector<128x4000xi1> to vector<128x4000xi32>
    %convert_element_type3A_12 = arith.sitofp %convert_element_type3A : vector<128x4000xi32> to vector<128x4000xf32>
    %get3A_13 = arith.constant 0 : index
    %get3A_14 = arith.constant 0 : index
    %get3A_15 = vector.load %arg4[%get3A_13, %get3A_14] : memref<640x128xf32, #tpu.memory_space<vmem>>, vector<128x128xf32>
    %dot_general3A_16 = arith.constant dense<0.000000e+00> : vector<4000x128xf32>
    %dot_general3A_17 = tpu.matmul %convert_element_type3A_12, %get3A_15, %dot_general3A_16 {dimension_numbers = #tpu.dot_dimension_numbers<[0], [0], [1], [1], [0, 1, 1, 1], [], []>, transpose_lhs_hint = false} : vector<128x4000xf32>, vector<128x128xf32>, vector<4000x128xf32> -> vector<4000x128xf32>
    %add3A = arith.addf %dot_general3A_5, %dot_general3A_17 : vector<4000x128xf32>
    %get3A_18 = arith.constant 0 : index
    %get3A_19 = arith.constant 0 : index
    %get3A_20 = vector.load %arg3[%get3A_18, %get3A_19] : memref<4000x128xf32, #tpu.memory_space<vmem>>, vector<4000x128xf32>
    %add3A_21 = arith.addf %add3A, %get3A_20 : vector<4000x128xf32>
    %logistic3A = arith.negf %add3A_21 : vector<4000x128xf32>
    %logistic3A_22 = math.exp %logistic3A : vector<4000x128xf32>
    %logistic3A_23 = arith.constant 1.000000e+00 : f32
    %logistic3A_24 = vector.broadcast %logistic3A_23 : f32 to vector<4000x128xf32>
    %logistic3A_25 = arith.addf %logistic3A_24, %logistic3A_22 : vector<4000x128xf32>
    %logistic3A_26 = arith.divf %logistic3A_24, %logistic3A_25 : vector<4000x128xf32>
    %mul3A = arith.mulf %add3A_21, %logistic3A_26 : vector<4000x128xf32>
    %get3A_27 = arith.constant 0 : index
    %get3A_28 = arith.constant 0 : index
    %get3A_29 = vector.load %arg6[%get3A_27, %get3A_28] : memref<128x128xf32, #tpu.memory_space<vmem>>, vector<128x128xf32>
    %dot_general3A_30 = arith.constant dense<0.000000e+00> : vector<4000x128xf32>
    %dot_general3A_31 = tpu.matmul %mul3A, %get3A_29, %dot_general3A_30 {dimension_numbers = #tpu.dot_dimension_numbers<[1], [0], [0], [1], [0, 0, 1, 1], [], []>, transpose_lhs_hint = false} : vector<4000x128xf32>, vector<128x128xf32>, vector<4000x128xf32> -> vector<4000x128xf32>
    %get3A_32 = arith.constant 0 : index
    %get3A_33 = arith.constant 0 : index
    %get3A_34 = vector.load %arg7[%get3A_32, %get3A_33] : memref<1x128xf32, #tpu.memory_space<vmem>>, vector<1x128xf32>
    %add3A_35 = vector.broadcast %get3A_34 : vector<1x128xf32> to vector<4000x128xf32>
    %add3A_36 = arith.addf %dot_general3A_31, %add3A_35 : vector<4000x128xf32>
    %swap3A = arith.constant 0 : index
    %swap3A_37 = arith.constant 0 : index
    %swap3A_38 = vector.load %arg8[%swap3A, %swap3A_37] : memref<4000x128xf32, #tpu.memory_space<vmem>>, vector<4000x128xf32>
    tpu.vector_store %arg8[%swap3A, %swap3A_37], %add3A_36 {strides = array<i32>} : memref<4000x128xf32, #tpu.memory_space<vmem>>, vector<4000x128xf32>,
    return
  }
  func.func @transform_0(%arg0: i32) -> (i32, i32) {
    %c0_i32 = arith.constant 0 : i32
    %c0_i32_0 = arith.constant 0 : i32
    return %arg0, %c0_i32 : i32, i32
  }
  func.func @transform_1(%arg0: i32) -> (i32, i32, i32) {
    %c0_i32 = arith.constant 0 : i32
    %c0_i32_0 = arith.constant 0 : i32
    %c0_i32_1 = arith.constant 0 : i32
    return %arg0, %c0_i32, %c0_i32_0 : i32, i32, i32
  }
  func.func @transform_2(%arg0: i32) -> (i32, i32) {
    %c0_i32 = arith.constant 0 : i32
    %c0_i32_0 = arith.constant 0 : i32
    return %arg0, %c0_i32 : i32, i32
  }
  func.func @transform_3(%arg0: i32) -> (i32, i32) {
    %c0_i32 = arith.constant 0 : i32
    %c0_i32_0 = arith.constant 0 : i32
    %c0_i32_1 = arith.constant 0 : i32
    return %c0_i32, %c0_i32_0 : i32, i32
  }
  func.func @transform_4(%arg0: i32) -> (i32, i32) {
    %c0_i32 = arith.constant 0 : i32
    %c0_i32_0 = arith.constant 0 : i32
    %c0_i32_1 = arith.constant 0 : i32
    return %c0_i32, %c0_i32_0 : i32, i32
  }
  func.func @transform_5(%arg0: i32) -> (i32, i32) {
    %c0_i32 = arith.constant 0 : i32
    %c0_i32_0 = arith.constant 0 : i32
    %c0_i32_1 = arith.constant 0 : i32
    return %c0_i32, %c0_i32_0 : i32, i32
  }
  func.func @transform_6(%arg0: i32) -> (i32, i32) {
    %c0_i32 = arith.constant 0 : i32
    %c0_i32_0 = arith.constant 0 : i32
    %c0_i32_1 = arith.constant 0 : i32
    return %c0_i32, %c0_i32_0 : i32, i32
  }
  func.func @transform_7(%arg0: i32) -> (i32, i32) {
    %c0_i32 = arith.constant 0 : i32
    %c0_i32_0 = arith.constant 0 : i32
    return %arg0, %c0_i32 : i32, i32
  }
}

</mosaic_0001>

<sc_bundles>
// kernel: kernel.5.cloned.1.call-start
scs
__scs_entry_jumppad:
0x0: {  	(pc) =	sbr.rel $0x88, $3  }
0x1: {  	(tag) =	ssettag $0x0;
	lr =	simm.s32 $0x1  }
0x2: {  	[smem:$0x3F94] =	sst lr;
	_ =	strace $0xD0000000  }
0x3: {  	_ = 	snop  }
0x4: {  	_ = 	snop  }
0x5: {  	_ = 	snop  }
0x6: {  	_ = 	snop  }
0x7: {  	_ = 	snop  }
__scs_overlays_trampoline_lowered:
0x8: {  	[smem:$0x3FA3] =	sst s0  }
0x9: {  	[smem:$0x3FA4] =	sst s1  }
0xa: {  	[smem:$0x3FA5] =	sst s2  }
0xb: {  	[smem:$0x3FA6] =	sst s3  }
0xc: {  	[smem:$0x3FA7] =	sst s4  }
0xd: {  	[smem:$0x3FA8] =	sst s5  }
0xe: {  	[smem:$0x3FA9] =	sst s6  }
0xf: {  	[smem:$0x3FAA] =	sst s7  }
0x10: {  	[smem:$0x3FAB] =	sst s8  }
0x11: {  	[smem:$0x3FAC] =	sst s9;
	s0 =	simm.s32 @!p0 $0x0  }
0x12: {  	s1 =	sld [smem:$0x3F92];
	s0 =	simm.s32 @p0 $0x1  }
0x13: {  	[smem:$0x3FAD] =	sst s0;
	s0 =	simm.s32 @!p1 $0x0  }
0x14: {  	s2 =	sld [smem:$0x3F91];
	s0 =	simm.s32 @p1 $0x1  }
0x15: {  	[smem:$0x3FAE] =	sst s0;
	s0 =	simm.s32 @!p2 $0x0  }
0x16: {  	s3 =	sld [smem:$0x3FDB];
	s0 =	simm.s32 @p2 $0x1  }
0x17: {  	s4 =	simm.s32 $0x1BF5;
	[smem:$0x3FB0] =	sst s0  }
0x18: {  	s0 =	sld [smem:$0x3F93];
	_ =	swait.ge [sflag:s4], $0x0  }
0x19: {  	s7 =	sld [smem:$0x3F94]  }
0x1a: {  	s8 =	sadd.s32 $0xFFFFE003, lr  }
0x1b: {  	s9 =	sadd.s32 $0xFFFFFEF7, lr;
	s5 =	simm.s32 $0xFFFFFFFF;
	p2 =	slt.u32 s8, $0xFFFFF086  }
0x1c: {  	p1 =	slt.u32 s9, $0xF7A;
	s5 =	simm.s32 @!p2 $0x0  }
0x1d: {  	s5 =	simm.s32 @p1 $0x1;
	p0 =	seq.s32 s7, s2  }
0x1e: {  	s7 =	smul.u32 @!p0 $0xF7A, s2;
	p2 =	seq.s32 @!p0 s5, $0x0  }
0x1f: {  	s9 =	smul.u32 $0xF7A, s1;
	s8 =	simm.s32 @!p0 $0x1BF5;
	p2 =	por !p2, p0  }
0x20: {  	[sflag:s8] =	ssyncset.s32 @!p0 $0xFFFFF086;
	s6 =	sadd.s32 @!p0 s3, s7;
	s7 =	simm.s32 @!p0 $0x108  }
0x21: {  	s3 =	sadd.s32 s3, s9;
	s6 =	sadd.s32 @!p0 $0x88, s6;
	s7 =	simm.s32 @p2 $0x1082  }
0x22: {  	[simem:s7], [sflag:s8] =	dma.local @!p0 [hbm:s6], $0xF7A  }
0x23: {  	s9 =	sor.u32 $0xD0000000, s2;
	s6 =	simm.s32 $0x108;
	_ =	swait.ge @!p0 [sflag:s8], $0x0  }
0x24: {  	s3 =	sadd.s32 $0x88, s3;
	s6 =	simm.s32 @!p1 $0x1082;
	[sflag:s4] =	ssyncset.s32 $0xFFFFF086  }
0x25: {  	[simem:s6], [sflag:s4] =	dma.local [hbm:s3], $0xF7A  }
0x26: {  	[smem:$0x3F94] =	sst s1;
	(tag) =	ssettag s2;
	_ =	strace s9  }
0x27: {  	s1 =	sld [smem:$0x3FA4]  }
0x28: {  	s2 =	sld [smem:$0x3FA5]  }
0x29: {  	s4 =	sld [smem:$0x3FA7]  }
0x2a: {  	p0 =	seq.s32 s5, $0x0;
	s5 =	sld [smem:$0x3FA8]  }
0x2b: {  	s6 =	sld [smem:$0x3FA9]  }
0x2c: {  	s7 =	sld [smem:$0x3FAA]  }
0x2d: {  	s3 =	simm.s32 $0x108;
	s8 =	sld [smem:$0x3FAB]  }
0x2e: {  	s3 =	simm.s32 @!p0 $0x1082;
	s9 =	sld [smem:$0x3FAC]  }
0x2f: {  	lr =	sadd.s32 s0, s3;
	s0 =	sld [smem:$0x3FA3]  }
0x30: {  	s3 =	sld [smem:$0x3FA6]  }
0x31: {  	[smem:$0x3FAF] =	sst s10  }
0x32: {  	s10 =	sld [smem:$0x3FAD];
	_ =	sdelay $0x3  }
0x33: {  	p0 =	seq.s32 s10, $0x1;
	s10 =	sld [smem:$0x3FAF];
	_ =	sdelay $0x3  }
0x34: {  	[smem:$0x3FAF] =	sst s10  }
0x35: {  	s10 =	sld [smem:$0x3FAE];
	_ =	sdelay $0x3  }
0x36: {  	p1 =	seq.s32 s10, $0x1;
	s10 =	sld [smem:$0x3FAF];
	_ =	sdelay $0x3  }
0x37: {  	[smem:$0x3FAF] =	sst s10  }
0x38: {  	s10 =	sld [smem:$0x3FB0]  }
0x39: {  	_ = 	snop;
	(pc) =	sbr.ind lr, $3  }
0x3a: {  	_ = 	snop  }
0x3b: {  	_ = 	snop  }
0x3c: {  	p2 =	seq.s32 s10, $0x1;
	s10 =	sld [smem:$0x3FAF]  }
0x3d: {  	_ =	shalt  }
0x3e: {  	_ =	shalt  }
0x3f: {  	_ =	shalt  }
0x40: {  	_ =	shalt  }
0x41: {  	_ =	shalt  }
0x42: {  	_ =	shalt  }
0x43: {  	_ =	shalt  }
0x44: {  	_ =	shalt  }
0x45: {  	_ =	shalt  }
0x46: {  	_ =	shalt  }
0x47: {  	_ =	shalt  }
0x48: {  	_ =	shalt  }
0x49: {  	_ =	shalt  }
0x4a: {  	_ =	shalt  }
0x4b: {  	_ =	shalt  }
0x4c: {  	_ =	shalt  }
0x4d: {  	_ =	shalt  }
0x4e: {  	_ =	shalt  }
0x4f: {  	_ =	shalt  }
0x50: {  	_ =	shalt  }
0x51: {  	_ =	shalt  }
0x52: {  	_ =	shalt  }
0x53: {  	_ =	shalt  }
0x54: {  	_ =	shalt  }
0x55: {  	_ =	shalt  }
0x56: {  	_ =	shalt  }
0x57: {  	_ =	shalt  }
0x58: {  	_ =	shalt  }
0x59: {  	_ =	shalt  }
0x5a: {  	_ =	shalt  }
0x5b: {  	_ =	shalt  }
0x5c: {  	_ =	shalt  }
0x5d: {  	_ =	shalt  }
0x5e: {  	_ =	shalt  }
0x5f: {  	_ =	shalt  }
0x60: {  	_ =	shalt  }
0x61: {  	_ =	shalt  }
0x62: {  	_ =	shalt  }
0x63: {  	_ =	shalt  }
0x64: {  	_ =	shalt  }
0x65: {  	_ =	shalt  }
0x66: {  	_ =	shalt  }
0x67: {  	_ =	shalt  }
0x68: {  	_ =	shalt  }
0x69: {  	_ =	shalt  }
0x6a: {  	_ =	shalt  }
0x6b: {  	_ =	shalt  }
0x6c: {  	_ =	shalt  }
0x6d: {  	_ =	shalt  }
0x6e: {  	_ =	shalt  }
0x6f: {  	_ =	shalt  }
0x70: {  	_ =	shalt  }
0x71: {  	_ =	shalt  }
0x72: {  	_ =	shalt  }
0x73: {  	_ =	shalt  }
0x74: {  	_ =	shalt  }
0x75: {  	_ =	shalt  }
0x76: {  	_ =	shalt  }
0x77: {  	_ =	shalt  }
0x78: {  	_ =	shalt  }
0x79: {  	_ =	shalt  }
0x7a: {  	_ =	shalt  }
0x7b: {  	_ =	shalt  }
0x7c: {  	_ =	shalt  }
0x7d: {  	_ =	shalt  }
0x7e: {  	_ =	shalt  }
0x7f: {  	_ =	shalt  }
0x80: {  	_ =	shalt  }
0x81: {  	_ =	shalt  }
0x82: {  	_ =	shalt  }
0x83: {  	_ =	shalt  }
0x84: {  	_ =	shalt  }
0x85: {  	_ =	shalt  }
0x86: {  	_ =	shalt  }
0x87: {  	_ =	shalt  }
.Lfunc_end0:
.L_simem_size_0:
called_computation_lowered:
.L_overlay_start_0:
0x88: {  	s2 =	sld [smem:$0x3FD9]  }
0x89: {  	s3 =	sld [smem:$0x3FFE];
	_ =	sdelay $0x1  }
0x8a: {  	s1 =	srdreg.scid  }
0x8b: {  	s0 =	sand.u32 $0x1, s1  }
0x8c: {  	s17 =	sshll.u32 s0, $0xA;
	s2 =	sadd.s32 s3, s2  }
0x8d: {  	s2 =	sadd.s32 s2, s17  }
0x8e: {  	[smem:$0x3FBB] =	sst s2  }
0x8f: {  	_ = 	snop  }
0x90: {  	s2 =	sld [smem:$0x3FD0];
	(tm) =	ssettm $0x1  }
0x91: {  	s18 =	sld [smem:$0x3FFB];
	_ =	sdelay $0x3  }
0x92: {  	_ =	strace s18  }
0x93: {  	s3 =	sld [smem:$0x3FFC];
	_ =	sdelay $0x3  }
0x94: {  	_ =	strace s3  }
0x95: {  	s3 =	sld [smem:$0x3FFD];
	_ =	sdelay $0x3  }
0x96: {  	_ =	strace s3  }
0x97: {  	_ =	strace $0x8FFFFFFF  }
0x98: {  	s19 =	sld [smem:$0x3FDB];
	_ =	sdelay $0x1  }
0x99: {  	s4 =	simm.s32 $_scs_section_size  }
0x9a: {  	s5 =	simm.s32 $_size__tile_overlayer_lowered;
	s6 =	simm.s32 $_tile_overlayer_lowered  }
0x9b: {  	s22 =	simm.s32 $0x1BFF;
	s21 =	sshll.u32 s6, $0x1;
	s3 =	sadd.s32 s4, s19  }
0x9c: {  	s7 =	simm.s32 $0x0;
	s20 =	sshll.u32 s5, $0x1;
	s5 =	sadd.s32 s21, s3  }
0x9d: {  	[timem:s7], [sflag:s22] =	dma.local [hbm:s5], s20  }
0x9e: {  	_ =	swait.ge [sflag:s22], s20  }
0x9f: {  	s4 =	ssub.s32 $0x0, s20;
	[sflag:s22] =	ssyncset.done $0x0  }
0xa0: {  	[sflag:s22] =	ssyncadd.s32 s4;
	_ =	sdelay $0x1  }
0xa1: {  	s23 =	simm.s32 $0x1B8B  }
0xa2: {  	_ =	swait.ge [sflag:s23], $0x1  }
0xa3: {  	[sflag:s23] =	ssyncset.done $0x0  }
0xa4: {  	s25 =	simm.s32 $0x1B8E;
	s24 =	sld [smem:$0x3FFE];
	[sflag:s23] =	ssyncadd.s32 $0xFFFFFFFF  }
0xa5: {  	s26 =	simm.s32 $execute0_lowered;
	[smem:$0x3FD2] =	sst s25  }
0xa6: {  	s5 =	sshll.u32 s26, $0x1;
	_ =	strace $0x80000046;
	[dreg:$0x1] =	wrdreg $0xFFFFFFFF  }
0xa7: {  	s28 =	simm.s32 $_size_execute0_lowered;
	s3 =	sadd.s32 s3, s5;
	[dreg:$0x0] =	wrdreg $0x0  }
0xa8: {  	s5 =	sshll.u32 s28, $0x1;
	[dreg:$0x2] =	wrdreg s3  }
0xa9: {  	[dreg:$0x3] =	wrdreg s5  }
0xaa: {  	[dreg:$0x4] =	wrdreg $0xC0  }
0xab: {  	_ =	task [dreg:s7], $0x5FFFF  }
0xac: {  	[dreg:$0x1] =	wrdreg $0xFFFFFFFF  }
0xad: {  	[dreg:$0x0] =	wrdreg $0x60  }
0xae: {  	[dreg:$0x2] =	wrdreg s24  }
0xaf: {  	[dreg:$0x3] =	wrdreg s2  }
0xb0: {  	[dreg:$0x4] =	wrdreg $0x9  }
0xb1: {  	_ =	task.clear_ibuf [dreg:s7], $0x5FFFF;
	_ =	strace $0x90000046  }
0xb2: {  	s29 =	simm.s32 $0x9;
	_ =	strace $0x80000048  }
0xb3: {  	_ =	swait.ge [sflag:s29], $0x1  }
0xb4: {  	[sflag:s29] =	ssyncadd.s32 $0xFFFFFFFF  }
0xb5: {  	_ =	strace $0x90000048  }
0xb6: {  	_ =	sfence  }
0xb7: {  	s30 =	sld [smem:$0x0];
	_ =	sdelay $0x2  }
0xb8: {  	s31 =	sshll.u32 s1, $0xD;
	s1 =	sshrl.u32 s1, $0x2  }
0xb9: {  	s3 =	sand.u32 $0x4000, s31;
	s1 =	sadd.s32 s1, s30  }
0xba: {  	s0 =	sor.u32 s3, s0;
	s1 =	sshll.u32 s1, $0x11  }
0xbb: {  	s0 =	sor.u32 s1, s0  }
0xbc: {  	s0 =	sadd.s32 $0x8F2B, s0  }
0xbd: {  	[sflag:s0] =	ssyncadd.remote.s32 $0x1  }
0xbe: {  	_ =	sfence.sel $0xFFFF  }
0xbf: {  	[dreg:$0x0] =	wrdreg $0xFFFFFFFF;
	(pc) =	sbr.abs _section_cstart, $3  }
0xc0: {  	[dreg:$0x1] =	wrdreg $0xFFFFFFFF  }
0xc1: {  	_ =	task.clear_ibuf [dreg:s7], $0x2FFFF;
	_ =	strace $0x9FFFFFFF  }
0xc2: {  	(tm) =	ssettm $0x7FFFFFFF  }
0xc3: {  	_ =	shalt  }
tec
execute0_lowered:
.L_overlay_start_1:
0x0: {  	(tag) =	ssettag $0x1  }
0x1: {  	s5 =	rddreg [dreg:$0x0]  }
0x2: {  	s2 =	rddreg [dreg:$0x1]  }
0x3: {  	s0 =	rddreg [dreg:$0x2];
	s1 =	stileid.u32  }
0x4: {  	s4 =	srdreg.scid;
	s11 =	smul.u32 $0xC8000, s1  }
0x5: {  	s3 =	simm.s32 $0x0;
	s15 =	simm.s32 $0x4100;
	s13 =	smul.u32 $0x1900, s1  }
0x6: {  	s16 =	simm.s32 $0x1;
	s8 =	sand.u32 $0x1, s4;
	s28 =	smul.u32 $0x19000, s1  }
0x7: {  	s17 =	simm.s32 $0x2;
	s18 =	simm.s32 $0x0;
	s12 =	smul.u32 $0x64000, s8  }
0x8: {  	s21 =	sshll.u32 s1, $0x1;
	[smem:$0x7FF] =	sst s3;
	s14 =	smul.u32 $0xC80, s8  }
0x9: {  	s4 =	sadd.s32 $0x1C00, s5;
	s6 =	sor.u32 s8, s21;
	s30 =	smul.u32 $0xC800, s8  }
0xa: {  	s10 =	sadd.s32 $0x4400, s5;
	s9 =	ssub.s32 $0x2, s8;
	s7 =	smul.u32 $0xC80, s6  }
0xb: {  	_ =	strace $0x80000047;
	s6 =	smul.u32 $0x64000, s6;
	s22 =	sshrl.u32 s9, $0x1  }
0xc: {  	s9 =	ssub.s32 s9, s22;
	s26 =	sadd.s32 s12, s11;
	s29 =	sadd.s32 s14, s13  }
0xd: {  	s12 =	simm.s32 $0x3;
	s13 =	simm.s32 $0x80;
	s14 =	simm.s32 $0x100  }
0xe: {  	s23 =	sshrl.u32 s6, $0x3;
	s24 =	sshrl.u32 s7, $0x3;
	s7 =	smax.u32 s9, $0x1  }
0xf: {  	s9 =	sshrl.u32 s26, $0x3;
	s31 =	sadd.s32 $0x80, s29;
	s25 =	sadd.s32 s10, s23  }
0x10: {  	s5 =	sadd.s32 s2, s24;
	s8 =	sadd.s32 s9, s10;
	s10 =	sadd.s32 s28, s10  }
0x11: {  	s9 =	sadd.s32 $0x100, s29;
	s11 =	sshrl.u32 s31, $0x3;
	s10 =	sadd.s32 s30, s10  }
0x12: {  	s6 =	sadd.s32 $0xC000, s25;
	s11 =	sadd.s32 s11, s2;
	s10 =	sadd.s32 $0x800, s10  }
.LBB2_1:
0x13: {  	[tilespmem:s3], [sflag:$0x3] =	stream.linear.gather [hbm4b:s5+s3], $0x80, $0x38;
	[tilespmem:$0x8100] =	vst v63  }
0x14: {  	_ =	swait.ge [sflag:s12], $0x80  }
0x15: {  	[sflag:s12] =	ssyncset.done $0x0  }
0x16: {  	[sflag:s12] =	ssyncadd.s32 $0xFFFFFF80  }
0x17: {  	[tilespmem:s14], [sflag:$0x1] =	stream.indirect.gather [hbm4b:s4+s13], $0x80, s3, s13, $0xb8;
	[tilespmem:$0x8100] =	vst v63  }
0x18: {  	_ = 	snop  }
0x19: {  	[tilespmem:s13], [sflag:$0x3] =	stream.linear.gather [hbm4b:s11+s3], $0x80, $0x38;
	[tilespmem:$0x8100] =	vst v63  }
0x1a: {  	_ =	swait.ge [sflag:s12], $0x80  }
0x1b: {  	[sflag:s12] =	ssyncset.done $0x0  }
0x1c: {  	[sflag:s12] =	ssyncadd.s32 $0xFFFFFF80  }
0x1d: {  	[tilespmem:s15], [sflag:$0x2] =	stream.indirect.gather [hbm4b:s4+s13], $0x80, s13, s13, $0xb8;
	[tilespmem:$0x8100] =	vst v63  }
0x1e: {  	_ =	swait.ge [sflag:s16], $0x4000  }
0x1f: {  	[sflag:s16] =	ssyncset.done $0x0  }
0x20: {  	s19 =	sadd.s32 $0x0, s8;
	[sflag:s16] =	ssyncadd.s32 $0xFFFFC000  }
0x21: {  	[hbm4b:s19+s3] =	stream.linear.scatter [tilespmem:s14], [sflag:$0x3], $0x4000, $0x38;
	[tilespmem:$0x8100] =	vst v63  }
0x22: {  	_ =	swait.ge [sflag:s12], $0x4000  }
0x23: {  	s30 =	sshrl.u32 s9, $0x3;
	[sflag:s12] =	ssyncset.done $0x0  }
0x24: {  	s19 =	sadd.s32 s2, s30;
	[sflag:s12] =	ssyncadd.s32 $0xFFFFC000  }
0x25: {  	[tilespmem:s3], [sflag:$0x3] =	stream.linear.gather [hbm4b:s19+s3], $0x80, $0x38;
	[tilespmem:$0x8100] =	vst v63  }
0x26: {  	_ =	swait.ge [sflag:s12], $0x80  }
0x27: {  	[sflag:s12] =	ssyncset.done $0x0  }
0x28: {  	[sflag:s12] =	ssyncadd.s32 $0xFFFFFF80  }
0x29: {  	[tilespmem:s14], [sflag:$0x1] =	stream.indirect.gather [hbm4b:s4+s13], $0x80, s3, s13, $0xb8;
	[tilespmem:$0x8100] =	vst v63  }
0x2a: {  	_ =	swait.ge [sflag:s17], $0x4000  }
0x2b: {  	[sflag:s17] =	ssyncset.done $0x0  }
0x2c: {  	s31 =	sadd.s32 $0x0, s10;
	[sflag:s17] =	ssyncadd.s32 $0xFFFFC000  }
0x2d: {  	[hbm4b:s31+s3] =	stream.linear.scatter [tilespmem:s15], [sflag:$0x3], $0x4000, $0x38;
	[tilespmem:$0x8100] =	vst v63  }
0x2e: {  	s20 =	smov.u32 s9;
	_ =	swait.ge [sflag:s12], $0x4000  }
0x2f: {  	s21 =	smov.u32 s11;
	s19 =	simm.s32 $0x1000;
	[sflag:s12] =	ssyncset.done $0x0  }
.LBB2_2:
0x30: {  	[sflag:s12] =	ssyncadd.s32 $0xFFFFC000  }
0x31: {  	s20 =	sadd.s32 $0x100, s20;
	s21 =	sadd.s32 $0x20, s21;
	s22 =	smov.u32 s19  }
0x32: {  	[tilespmem:s13], [sflag:$0x3] =	stream.linear.gather [hbm4b:s21+s3], $0x80, $0x38;
	[tilespmem:$0x8100] =	vst v63  }
0x33: {  	p0 =	sne.s32 s19, $0xB000;
	s19 =	sadd.s32 $0x1000, s19;
	_ =	swait.ge [sflag:s12], $0x80  }
0x34: {  	[sflag:s12] =	ssyncset.done $0x0  }
0x35: {  	[sflag:s12] =	ssyncadd.s32 $0xFFFFFF80  }
0x36: {  	[tilespmem:s15], [sflag:$0x2] =	stream.indirect.gather [hbm4b:s4+s13], $0x80, s13, s13, $0xb8;
	[tilespmem:$0x8100] =	vst v63  }
0x37: {  	_ =	swait.ge [sflag:s16], $0x4000  }
0x38: {  	[sflag:s16] =	ssyncset.done $0x0  }
0x39: {  	s23 =	sadd.s32 s22, s8;
	[sflag:s16] =	ssyncadd.s32 $0xFFFFC000  }
0x3a: {  	[hbm4b:s23+s3] =	stream.linear.scatter [tilespmem:s14], [sflag:$0x3], $0x4000, $0x38;
	[tilespmem:$0x8100] =	vst v63  }
0x3b: {  	_ =	swait.ge [sflag:s12], $0x4000  }
0x3c: {  	s23 =	sshrl.u32 s20, $0x3;
	[sflag:s12] =	ssyncset.done $0x0  }
0x3d: {  	s23 =	sadd.s32 s2, s23;
	[sflag:s12] =	ssyncadd.s32 $0xFFFFC000  }
0x3e: {  	[tilespmem:s3], [sflag:$0x3] =	stream.linear.gather [hbm4b:s23+s3], $0x80, $0x38;
	[tilespmem:$0x8100] =	vst v63  }
0x3f: {  	_ =	swait.ge [sflag:s12], $0x80  }
0x40: {  	[sflag:s12] =	ssyncset.done $0x0  }
0x41: {  	[sflag:s12] =	ssyncadd.s32 $0xFFFFFF80  }
0x42: {  	[tilespmem:s14], [sflag:$0x1] =	stream.indirect.gather [hbm4b:s4+s13], $0x80, s3, s13, $0xb8;
	[tilespmem:$0x8100] =	vst v63  }
0x43: {  	_ =	swait.ge [sflag:s17], $0x4000  }
.Ltmp0:
0x44: {  	[sflag:s17] =	ssyncset.done $0x0;
	(pc) =	sbr.rel @p0 .LBB2_2-.Ltmp0, $4  }
0x45: {  	s22 =	sadd.s32 s22, s10;
	[sflag:s17] =	ssyncadd.s32 $0xFFFFC000  }
0x46: {  	[hbm4b:s22+s3] =	stream.linear.scatter [tilespmem:s15], [sflag:$0x3], $0x4000, $0x38;
	[tilespmem:$0x8100] =	vst v63  }
0x47: {  	_ =	swait.ge [sflag:s12], $0x4000  }
0x48: {  	[sflag:s12] =	ssyncset.done $0x0  }
0x49: {  	[sflag:s12] =	ssyncadd.s32 $0xFFFFC000  }
0x4a: {  	s18 =	sadd.s32 $0x1, s18;
	_ =	swait.ge [sflag:s16], $0x4000  }
0x4b: {  	p0 =	sne.s32 s18, s7;
	[sflag:s16] =	ssyncset.done $0x0  }
.Ltmp1:
0x4c: {  	[sflag:s16] =	ssyncadd.s32 $0xFFFFC000;
	(pc) =	sbr.rel @p0 .LBB2_1-.Ltmp1, $4  }
0x4d: {  	[hbm4b:s6+s3] =	stream.linear.scatter [tilespmem:s14], [sflag:$0x3], $0x4000, $0x38;
	[tilespmem:$0x8100] =	vst v63  }
0x4e: {  	_ =	swait.ge [sflag:s12], $0x4000  }
0x4f: {  	[sflag:s12] =	ssyncset.done $0x0  }
0x50: {  	[sflag:s12] =	ssyncadd.s32 $0xFFFFC000  }
0x51: {  	_ =	sfence.sel $0x180000  }
0x52: {  	[bflag:$0x0] =	sbarrier.arrive $0xFFFF  }
0x53: {  	p0 =	sne.s32 s1, $0x0;
	_ =	strace $0x90000047  }
0x54: {  	s0 =	sadd.s32 @!p0 $0x100000, s0;
	[bflag:$0x2] =	sbarrier.arrive $0xFFFF  }
0x55: {  	[sflag:s0] =	ssyncadd.tile.s32 @!p0 $0x1;
	_ =	shalt  }
.Lfunc_end2:
_tile_overlayer_lowered:
.L_overlay_start_2:
0x56: {  	(tag) =	ssettag $0x2  }
0x57: {  	s0 =	rddreg [dreg:$0x0];
	s2 =	stileid.u32  }
0x58: {  	s1 =	rddreg [dreg:$0x1];
	p0 =	sne.s32 s2, $0x0  }
0x59: {  	s3 =	rddreg [dreg:$0x2];
	[bflag:$0x3] =	sbarrier.arrive $0xFFFF;
	s2 =	simm.s32 @!p0 $0x1C03  }
0x5a: {  	[timem:s3], [sflag:s2] =	dma.local @!p0 [hbm:s0], s1  }
0x5b: {  	s0 =	simm.s32 @!p0 $0x3  }
0x5c: {  	_ =	swait.ge @!p0 [sflag:s0], s1  }
0x5d: {  	s1 =	ssub.s32 @!p0 $0x0, s1;
	[sflag:s0] =	ssyncset.done @!p0 $0x0  }
0x5e: {  	[sflag:s0] =	ssyncadd.s32 @!p0 s1  }
0x5f: {  	[bflag:$0x3] =	sbarrier.arrive $0xFFFF  }
0x60: {  	_ =	shalt  }

</sc_bundles>
